<compile_context>
chip_gen: v7x
topology: tpu7x:2x2x1
jax: 0.10.2.dev20260603
libtpu: 0.0.44.dev20260713+nightly
codegen_flags: <defaults>
</compile_context>

<pallas_src>
import functools

import jax
import jax.numpy as jnp
from jax import lax
from jax.experimental import pallas as pl
from jax.experimental.pallas import tpu as pltpu
from jax.experimental.pallas import tpu_sc as plsc

_VOCAB = 100000
_D = 128
_B = 4096
_L = 200
_N = _B * _L


_ROWS_PER_BLOCK = 10000
_N_BLOCKS = _VOCAB // _ROWS_PER_BLOCK


def _proj_body(t_ref, w_ref, o_ref):
    o_ref[...] = lax.dot_general(
        t_ref[...], w_ref[...],
        (((1,), (1,)), ((), ())),
        preferred_element_type=jnp.float32,
    )


def _project(table, W):
    return pl.pallas_call(
        _proj_body,
        grid=(_N_BLOCKS,),
        in_specs=[
            pl.BlockSpec((_ROWS_PER_BLOCK, _D), lambda i: (i, 0)),
            pl.BlockSpec((_D, _D), lambda i: (0, 0)),
        ],
        out_specs=pl.BlockSpec((_ROWS_PER_BLOCK, _D), lambda i: (i, 0)),
        out_shape=jax.ShapeDtypeStruct((_VOCAB, _D), jnp.float32),
    )(table, W)



_NC = 2
_NS = 16
_NW = _NC * _NS
_PER_W = _N // _NW
_C = 200
_ITERS = _PER_W // _C
_NBUF = 4
_LEAD = 2

_mesh = plsc.VectorSubcoreMesh(
    core_axis_name="c", subcore_axis_name="s",
    num_cores=_NC, num_subcores=_NS,
)


@functools.partial(
    pl.kernel,
    out_type=jax.ShapeDtypeStruct((_N, _D), jnp.float32),
    mesh=_mesh,
    scratch_types=[
        pltpu.VMEM((_PER_W,), jnp.int32),
        [pltpu.VMEM((_C, _D), jnp.float32) for _ in range(_NBUF)],
        [pltpu.SemaphoreType.DMA for _ in range(_NBUF)],
        [pltpu.SemaphoreType.DMA for _ in range(_NBUF)],
    ],
)
def _gather(tbl_hbm, idx_hbm, out_hbm, idx_all, rows, gsem, wsem):
    wid = lax.axis_index("s") * _NC + lax.axis_index("c")
    base = wid * _PER_W

    pltpu.sync_copy(idx_hbm.at[pl.ds(base, _PER_W)], idx_all)

    def g_copy(s, b):
        return pltpu.make_async_copy(
            tbl_hbm.at[idx_all.at[pl.ds(s * _C, _C)]], rows[b], gsem[b])

    def w_copy(s, b):
        off = pl.multiple_of(base + s * _C, _C)
        return pltpu.make_async_copy(rows[b], out_hbm.at[pl.ds(off, _C)],
                                     wsem[b])

    for b in range(_NBUF):
        g_copy(b, b).start()
        if b >= _LEAD:
            g_copy(b - _LEAD, b - _LEAD).wait()
            w_copy(b - _LEAD, b - _LEAD).start()

    def round_body(j, carry):
        for b in range(_NBUF):
            s = j * _NBUF + b
            w_copy(s - _NBUF, b).wait()
            g_copy(s, b).start()
            b2 = (b + _NBUF - _LEAD) % _NBUF
            g_copy(s - _LEAD, b2).wait()
            w_copy(s - _LEAD, b2).start()
        return carry

    lax.fori_loop(1, _ITERS // _NBUF, round_body, 0)

    for s in range(_ITERS - _LEAD, _ITERS):
        b = s % _NBUF
        g_copy(s, b).wait()
        w_copy(s, b).start()
    for s in range(_ITERS - _NBUF, _ITERS):
        w_copy(s, s % _NBUF).wait()


def kernel(x, table, W):
    P = _project(table, W)
    idx = x.reshape(_N).astype(jnp.int32)
    out = _gather(P, idx)
    return out.reshape(_B, _L, _D)

# --- scband reference (transcript-rebuilt; emitter-appended) ---
"""Pipeline reference for scband-embed-14602888807058 (READ-ONLY COPY).

The authoritative reference and input builder live on the scoring server;
editing this copy changes nothing except your own understanding.
"""

import jax, jax.numpy as jnp
import numpy as np

VOCAB = 100000
EMBED_DIM = 128
PROJECT_SIZE = 128
BATCH = 4096
HIST_LEN = 200
PADDING_IDX = 0


def setup_inputs(seed: int = 0) -> dict:
    key = jax.random.key(seed)
    k1, k2, k3 = jax.random.split(key, 3)
    x = jax.random.randint(k1, (BATCH, HIST_LEN), 0, VOCAB, dtype=jnp.int64 if jax.config.jax_enable_x64 else jnp.int32)
    table = jax.random.normal(k2, (VOCAB, EMBED_DIM), dtype=jnp.float32)
    # nn.Embedding with padding_idx initializes the padding row to zeros
    table = table.at[PADDING_IDX].set(0.0)
    # nn.Linear(esize, project_size, bias=False) weight: [project_size, esize]
    W = jax.random.normal(k3, (PROJECT_SIZE, EMBED_DIM), dtype=jnp.float32) * 0.02
    return {"x": x, "table": table, "W": W}


def reference(x, table, W):
    # mode == 'learn': embedding lookup
    emb = jnp.take(table, x, axis=0)  # [B, L, EMBED_DIM]
    # project_size > 0: linear projection without bias
    out = emb @ W.T  # [B, L, PROJECT_SIZE]
    # dropout_p == 0 -> identity
    return out

if __name__ == "__main__":
    import jax
    _d = setup_inputs()
    print(jax.jit(kernel)(*tuple(_d.values())))

</pallas_src>

<mosaic_0001>
#map = affine_map<(d0, d1) -> (0, 0)>
#map1 = affine_map<(d0, d1) -> (0)>
module attributes {stable_mosaic.version = 14 : i64} {
  func.func @_gather(%arg0: i32, %arg1: i32, %arg2: memref<100000x128xf32, #tpu.memory_space<hbm>>, %arg3: memref<819200xi32, #tpu.memory_space<hbm>>, %arg4: memref<819200x128xf32, #tpu.memory_space<hbm>>, %arg5: memref<25600xi32, #tpu.memory_space<vmem>>, %arg6: memref<200x128xf32, #tpu.memory_space<vmem>>, %arg7: memref<200x128xf32, #tpu.memory_space<vmem>>, %arg8: memref<200x128xf32, #tpu.memory_space<vmem>>, %arg9: memref<200x128xf32, #tpu.memory_space<vmem>>, %arg10: memref<!tpu.dma_semaphore, #tpu.memory_space<semaphore_mem>>, %arg11: memref<!tpu.dma_semaphore, #tpu.memory_space<semaphore_mem>>, %arg12: memref<!tpu.dma_semaphore, #tpu.memory_space<semaphore_mem>>, %arg13: memref<!tpu.dma_semaphore, #tpu.memory_space<semaphore_mem>>, %arg14: memref<!tpu.dma_semaphore, #tpu.memory_space<semaphore_mem>>, %arg15: memref<!tpu.dma_semaphore, #tpu.memory_space<semaphore_mem>>, %arg16: memref<!tpu.dma_semaphore, #tpu.memory_space<semaphore_mem>>, %arg17: memref<!tpu.dma_semaphore, #tpu.memory_space<semaphore_mem>>) attributes {dimension_semantics = [#tpu.dimension_semantics<core_parallel>, #tpu.dimension_semantics<subcore_parallel>], iteration_bounds = array<i64: 2, 16>, scalar_prefetch = 0 : i64, scratch_operands = 13 : i64, tpu.core_type = #tpu.core_type<sc_vector_subcore>, window_params = [{transform_indices = #map}, {transform_indices = #map1}, {transform_indices = #map}]} {
    %mul3A = arith.constant 2 : i32
    %mul3A_0 = arith.muli %arg1, %mul3A : i32
    %add3A = arith.addi %mul3A_0, %arg0 : i32
    %mul3A_1 = arith.constant 25600 : i32
    %mul3A_2 = arith.muli %add3A, %mul3A_1 : i32
    "tpu.region"() ({
      %run_scoped3A = tpu.sem_alloc : memref<!tpu.dma_semaphore, #tpu.memory_space<semaphore_mem>>
      %dma_start3A_101 = tpu.memref_slice %arg3[%mul3A_2] : memref<819200xi32, #tpu.memory_space<hbm>> -> memref<25600xi32, #tpu.memory_space<hbm>>
      %dma_start3A_102 = tpu.memref_slice %arg3[%mul3A_2] : memref<819200xi32, #tpu.memory_space<hbm>> -> memref<25600xi32, #tpu.memory_space<hbm>>
      tpu.enqueue_dma source(%dma_start3A_102 : memref<25600xi32, #tpu.memory_space<hbm>>) target(%arg5 : memref<25600xi32, #tpu.memory_space<vmem>>) target_semaphore(%run_scoped3A : memref<!tpu.dma_semaphore, #tpu.memory_space<semaphore_mem>>)
      %dma_wait3A_103 = tpu.memref_slice %arg3[%mul3A_2] : memref<819200xi32, #tpu.memory_space<hbm>> -> memref<25600xi32, #tpu.memory_space<hbm>>
      %dma_wait3A_104 = tpu.memref_slice %arg3[%mul3A_2] : memref<819200xi32, #tpu.memory_space<hbm>> -> memref<25600xi32, #tpu.memory_space<hbm>>
      tpu.wait_dma2 semaphore(%run_scoped3A : memref<!tpu.dma_semaphore, #tpu.memory_space<semaphore_mem>>) src(%dma_wait3A_104 : memref<25600xi32, #tpu.memory_space<hbm>>) dst(%arg5 : memref<25600xi32, #tpu.memory_space<vmem>>)
      tpu.yield
    }) : () -> ()
    %dma_start3A = arith.constant 0 : i32
    %dma_start3A_3 = tpu.memref_slice %arg5[%dma_start3A] : memref<25600xi32, #tpu.memory_space<vmem>> -> memref<200xi32, #tpu.memory_space<vmem>>
    %dma_start3A_4 = arith.constant 0 : i32
    %dma_start3A_5 = arith.constant 0 : i32
    %dma_start3A_6 = tpu.memref_slice %arg2[%dma_start3A_4, %dma_start3A_5] : memref<100000x128xf32, #tpu.memory_space<hbm>> -> memref<100000x128xf32, #tpu.memory_space<hbm>>
    tpu.enqueue_indirect_dma source(%dma_start3A_6 : memref<100000x128xf32, #tpu.memory_space<hbm>>) target(%arg6 : memref<200x128xf32, #tpu.memory_space<vmem>>) offsets(%dma_start3A_3 : memref<200xi32, #tpu.memory_space<vmem>>) semaphore(%arg10 : memref<!tpu.dma_semaphore, #tpu.memory_space<semaphore_mem>>)
    %dma_start3A_7 = arith.constant 200 : i32
    %dma_start3A_8 = tpu.memref_slice %arg5[%dma_start3A_7] : memref<25600xi32, #tpu.memory_space<vmem>> -> memref<200xi32, #tpu.memory_space<vmem>>
    %dma_start3A_9 = arith.constant 0 : i32
    %dma_start3A_10 = arith.constant 0 : i32
    %dma_start3A_11 = tpu.memref_slice %arg2[%dma_start3A_9, %dma_start3A_10] : memref<100000x128xf32, #tpu.memory_space<hbm>> -> memref<100000x128xf32, #tpu.memory_space<hbm>>
    tpu.enqueue_indirect_dma source(%dma_start3A_11 : memref<100000x128xf32, #tpu.memory_space<hbm>>) target(%arg7 : memref<200x128xf32, #tpu.memory_space<vmem>>) offsets(%dma_start3A_8 : memref<200xi32, #tpu.memory_space<vmem>>) semaphore(%arg11 : memref<!tpu.dma_semaphore, #tpu.memory_space<semaphore_mem>>)
    %dma_start3A_12 = arith.constant 400 : i32
    %dma_start3A_13 = tpu.memref_slice %arg5[%dma_start3A_12] : memref<25600xi32, #tpu.memory_space<vmem>> -> memref<200xi32, #tpu.memory_space<vmem>>
    %dma_start3A_14 = arith.constant 0 : i32
    %dma_start3A_15 = arith.constant 0 : i32
    %dma_start3A_16 = tpu.memref_slice %arg2[%dma_start3A_14, %dma_start3A_15] : memref<100000x128xf32, #tpu.memory_space<hbm>> -> memref<100000x128xf32, #tpu.memory_space<hbm>>
    tpu.enqueue_indirect_dma source(%dma_start3A_16 : memref<100000x128xf32, #tpu.memory_space<hbm>>) target(%arg8 : memref<200x128xf32, #tpu.memory_space<vmem>>) offsets(%dma_start3A_13 : memref<200xi32, #tpu.memory_space<vmem>>) semaphore(%arg12 : memref<!tpu.dma_semaphore, #tpu.memory_space<semaphore_mem>>)
    %dma_wait3A = arith.constant 0 : i32
    %dma_wait3A_17 = tpu.memref_slice %arg5[%dma_wait3A] : memref<25600xi32, #tpu.memory_space<vmem>> -> memref<200xi32, #tpu.memory_space<vmem>>
    %dma_wait3A_18 = arith.constant 0 : i32
    %dma_wait3A_19 = arith.constant 0 : i32
    %dma_wait3A_20 = tpu.memref_slice %arg2[%dma_wait3A_18, %dma_wait3A_19] : memref<100000x128xf32, #tpu.memory_space<hbm>> -> memref<100000x128xf32, #tpu.memory_space<hbm>>
    tpu.wait_indirect_dma semaphore(%arg10 : memref<!tpu.dma_semaphore, #tpu.memory_space<semaphore_mem>>) src(%dma_wait3A_20 : memref<100000x128xf32, #tpu.memory_space<hbm>>) dst(%arg6 : memref<200x128xf32, #tpu.memory_space<vmem>>)
    %add3A_21 = arith.constant 0 : i32
    %add3A_22 = arith.addi %mul3A_2, %add3A_21 : i32
    %multiple_of3A = tpu.assume_multiple %add3A_22, 200 : i32
    %dma_start3A_23 = arith.constant 0 : i32
    %dma_start3A_24 = tpu.memref_slice %arg4[%multiple_of3A, %dma_start3A_23] : memref<819200x128xf32, #tpu.memory_space<hbm>> -> memref<200x128xf32, #tpu.memory_space<hbm>>
    %dma_start3A_25 = arith.constant 0 : i32
    %dma_start3A_26 = tpu.memref_slice %arg4[%multiple_of3A, %dma_start3A_25] : memref<819200x128xf32, #tpu.memory_space<hbm>> -> memref<200x128xf32, #tpu.memory_space<hbm>>
    tpu.enqueue_dma source(%arg6 : memref<200x128xf32, #tpu.memory_space<vmem>>) target(%dma_start3A_26 : memref<200x128xf32, #tpu.memory_space<hbm>>) target_semaphore(%arg14 : memref<!tpu.dma_semaphore, #tpu.memory_space<semaphore_mem>>)
    %dma_start3A_27 = arith.constant 600 : i32
    %dma_start3A_28 = tpu.memref_slice %arg5[%dma_start3A_27] : memref<25600xi32, #tpu.memory_space<vmem>> -> memref<200xi32, #tpu.memory_space<vmem>>
    %dma_start3A_29 = arith.constant 0 : i32
    %dma_start3A_30 = arith.constant 0 : i32
    %dma_start3A_31 = tpu.memref_slice %arg2[%dma_start3A_29, %dma_start3A_30] : memref<100000x128xf32, #tpu.memory_space<hbm>> -> memref<100000x128xf32, #tpu.memory_space<hbm>>
    tpu.enqueue_indirect_dma source(%dma_start3A_31 : memref<100000x128xf32, #tpu.memory_space<hbm>>) target(%arg9 : memref<200x128xf32, #tpu.memory_space<vmem>>) offsets(%dma_start3A_28 : memref<200xi32, #tpu.memory_space<vmem>>) semaphore(%arg13 : memref<!tpu.dma_semaphore, #tpu.memory_space<semaphore_mem>>)
    %dma_wait3A_32 = arith.constant 200 : i32
    %dma_wait3A_33 = tpu.memref_slice %arg5[%dma_wait3A_32] : memref<25600xi32, #tpu.memory_space<vmem>> -> memref<200xi32, #tpu.memory_space<vmem>>
    %dma_wait3A_34 = arith.constant 0 : i32
    %dma_wait3A_35 = arith.constant 0 : i32
    %dma_wait3A_36 = tpu.memref_slice %arg2[%dma_wait3A_34, %dma_wait3A_35] : memref<100000x128xf32, #tpu.memory_space<hbm>> -> memref<100000x128xf32, #tpu.memory_space<hbm>>
    tpu.wait_indirect_dma semaphore(%arg11 : memref<!tpu.dma_semaphore, #tpu.memory_space<semaphore_mem>>) src(%dma_wait3A_36 : memref<100000x128xf32, #tpu.memory_space<hbm>>) dst(%arg7 : memref<200x128xf32, #tpu.memory_space<vmem>>)
    %add3A_37 = arith.constant 200 : i32
    %add3A_38 = arith.addi %mul3A_2, %add3A_37 : i32
    %multiple_of3A_39 = tpu.assume_multiple %add3A_38, 200 : i32
    %dma_start3A_40 = arith.constant 0 : i32
    %dma_start3A_41 = tpu.memref_slice %arg4[%multiple_of3A_39, %dma_start3A_40] : memref<819200x128xf32, #tpu.memory_space<hbm>> -> memref<200x128xf32, #tpu.memory_space<hbm>>
    %dma_start3A_42 = arith.constant 0 : i32
    %dma_start3A_43 = tpu.memref_slice %arg4[%multiple_of3A_39, %dma_start3A_42] : memref<819200x128xf32, #tpu.memory_space<hbm>> -> memref<200x128xf32, #tpu.memory_space<hbm>>
    tpu.enqueue_dma source(%arg7 : memref<200x128xf32, #tpu.memory_space<vmem>>) target(%dma_start3A_43 : memref<200x128xf32, #tpu.memory_space<hbm>>) target_semaphore(%arg15 : memref<!tpu.dma_semaphore, #tpu.memory_space<semaphore_mem>>)
    %scan3A = arith.constant 0 : i32
    %scan3A_44 = arith.constant 1 : i32
    %scan3A_45 = arith.constant 31 : i32
    %scan3A_46 = arith.addi %scan3A_44, %scan3A_45 : i32
    %scan3A_47 = arith.constant 1 : i32
    scf.for %scan3A_101 = %scan3A_44 to %scan3A_46 step %scan3A_47  : i32 {
      %mul3A_102 = arith.constant 4 : i32
      %mul3A_103 = arith.muli %scan3A_101, %mul3A_102 : i32
      %add3A_104 = arith.constant 0 : i32
      %add3A_105 = arith.addi %mul3A_103, %add3A_104 : i32
      %sub3A = arith.constant 4 : i32
      %sub3A_106 = arith.subi %add3A_105, %sub3A : i32
      %mul3A_107 = arith.constant 200 : i32
      %mul3A_108 = arith.muli %sub3A_106, %mul3A_107 : i32
      %add3A_109 = arith.addi %mul3A_2, %mul3A_108 : i32
      %multiple_of3A_110 = tpu.assume_multiple %add3A_109, 200 : i32
      %dma_wait3A_111 = arith.constant 0 : i32
      %dma_wait3A_112 = tpu.memref_slice %arg4[%multiple_of3A_110, %dma_wait3A_111] : memref<819200x128xf32, #tpu.memory_space<hbm>> -> memref<200x128xf32, #tpu.memory_space<hbm>>
      %dma_wait3A_113 = arith.constant 0 : i32
      %dma_wait3A_114 = tpu.memref_slice %arg4[%multiple_of3A_110, %dma_wait3A_113] : memref<819200x128xf32, #tpu.memory_space<hbm>> -> memref<200x128xf32, #tpu.memory_space<hbm>>
      tpu.wait_dma2 semaphore(%arg14 : memref<!tpu.dma_semaphore, #tpu.memory_space<semaphore_mem>>) src(%arg6 : memref<200x128xf32, #tpu.memory_space<vmem>>) dst(%dma_wait3A_114 : memref<200x128xf32, #tpu.memory_space<hbm>>)
      %mul3A_115 = arith.constant 200 : i32
      %mul3A_116 = arith.muli %add3A_105, %mul3A_115 : i32
      %dma_start3A_117 = tpu.memref_slice %arg5[%mul3A_116] : memref<25600xi32, #tpu.memory_space<vmem>> -> memref<200xi32, #tpu.memory_space<vmem>>
      %dma_start3A_118 = arith.constant 0 : i32
      %dma_start3A_119 = arith.constant 0 : i32
      %dma_start3A_120 = tpu.memref_slice %arg2[%dma_start3A_118, %dma_start3A_119] : memref<100000x128xf32, #tpu.memory_space<hbm>> -> memref<100000x128xf32, #tpu.memory_space<hbm>>
      tpu.enqueue_indirect_dma source(%dma_start3A_120 : memref<100000x128xf32, #tpu.memory_space<hbm>>) target(%arg6 : memref<200x128xf32, #tpu.memory_space<vmem>>) offsets(%dma_start3A_117 : memref<200xi32, #tpu.memory_space<vmem>>) semaphore(%arg10 : memref<!tpu.dma_semaphore, #tpu.memory_space<semaphore_mem>>)
      %sub3A_121 = arith.constant 2 : i32
      %sub3A_122 = arith.subi %add3A_105, %sub3A_121 : i32
      %mul3A_123 = arith.constant 200 : i32
      %mul3A_124 = arith.muli %sub3A_122, %mul3A_123 : i32
      %dma_wait3A_125 = tpu.memref_slice %arg5[%mul3A_124] : memref<25600xi32, #tpu.memory_space<vmem>> -> memref<200xi32, #tpu.memory_space<vmem>>
      %dma_wait3A_126 = arith.constant 0 : i32
      %dma_wait3A_127 = arith.constant 0 : i32
      %dma_wait3A_128 = tpu.memref_slice %arg2[%dma_wait3A_126, %dma_wait3A_127] : memref<100000x128xf32, #tpu.memory_space<hbm>> -> memref<100000x128xf32, #tpu.memory_space<hbm>>
      tpu.wait_indirect_dma semaphore(%arg12 : memref<!tpu.dma_semaphore, #tpu.memory_space<semaphore_mem>>) src(%dma_wait3A_128 : memref<100000x128xf32, #tpu.memory_space<hbm>>) dst(%arg8 : memref<200x128xf32, #tpu.memory_space<vmem>>)
      %sub3A_129 = arith.constant 2 : i32
      %sub3A_130 = arith.subi %add3A_105, %sub3A_129 : i32
      %mul3A_131 = arith.constant 200 : i32
      %mul3A_132 = arith.muli %sub3A_130, %mul3A_131 : i32
      %add3A_133 = arith.addi %mul3A_2, %mul3A_132 : i32
      %multiple_of3A_134 = tpu.assume_multiple %add3A_133, 200 : i32
      %dma_start3A_135 = arith.constant 0 : i32
      %dma_start3A_136 = tpu.memref_slice %arg4[%multiple_of3A_134, %dma_start3A_135] : memref<819200x128xf32, #tpu.memory_space<hbm>> -> memref<200x128xf32, #tpu.memory_space<hbm>>
      %dma_start3A_137 = arith.constant 0 : i32
      %dma_start3A_138 = tpu.memref_slice %arg4[%multiple_of3A_134, %dma_start3A_137] : memref<819200x128xf32, #tpu.memory_space<hbm>> -> memref<200x128xf32, #tpu.memory_space<hbm>>
      tpu.enqueue_dma source(%arg8 : memref<200x128xf32, #tpu.memory_space<vmem>>) target(%dma_start3A_138 : memref<200x128xf32, #tpu.memory_space<hbm>>) target_semaphore(%arg16 : memref<!tpu.dma_semaphore, #tpu.memory_space<semaphore_mem>>)
      %mul3A_139 = arith.constant 4 : i32
      %mul3A_140 = arith.muli %scan3A_101, %mul3A_139 : i32
      %add3A_141 = arith.constant 1 : i32
      %add3A_142 = arith.addi %mul3A_140, %add3A_141 : i32
      %sub3A_143 = arith.constant 4 : i32
      %sub3A_144 = arith.subi %add3A_142, %sub3A_143 : i32
      %mul3A_145 = arith.constant 200 : i32
      %mul3A_146 = arith.muli %sub3A_144, %mul3A_145 : i32
      %add3A_147 = arith.addi %mul3A_2, %mul3A_146 : i32
      %multiple_of3A_148 = tpu.assume_multiple %add3A_147, 200 : i32
      %dma_wait3A_149 = arith.constant 0 : i32
      %dma_wait3A_150 = tpu.memref_slice %arg4[%multiple_of3A_148, %dma_wait3A_149] : memref<819200x128xf32, #tpu.memory_space<hbm>> -> memref<200x128xf32, #tpu.memory_space<hbm>>
      %dma_wait3A_151 = arith.constant 0 : i32
      %dma_wait3A_152 = tpu.memref_slice %arg4[%multiple_of3A_148, %dma_wait3A_151] : memref<819200x128xf32, #tpu.memory_space<hbm>> -> memref<200x128xf32, #tpu.memory_space<hbm>>
      tpu.wait_dma2 semaphore(%arg15 : memref<!tpu.dma_semaphore, #tpu.memory_space<semaphore_mem>>) src(%arg7 : memref<200x128xf32, #tpu.memory_space<vmem>>) dst(%dma_wait3A_152 : memref<200x128xf32, #tpu.memory_space<hbm>>)
      %mul3A_153 = arith.constant 200 : i32
      %mul3A_154 = arith.muli %add3A_142, %mul3A_153 : i32
      %dma_start3A_155 = tpu.memref_slice %arg5[%mul3A_154] : memref<25600xi32, #tpu.memory_space<vmem>> -> memref<200xi32, #tpu.memory_space<vmem>>
      %dma_start3A_156 = arith.constant 0 : i32
      %dma_start3A_157 = arith.constant 0 : i32
      %dma_start3A_158 = tpu.memref_slice %arg2[%dma_start3A_156, %dma_start3A_157] : memref<100000x128xf32, #tpu.memory_space<hbm>> -> memref<100000x128xf32, #tpu.memory_space<hbm>>
      tpu.enqueue_indirect_dma source(%dma_start3A_158 : memref<100000x128xf32, #tpu.memory_space<hbm>>) target(%arg7 : memref<200x128xf32, #tpu.memory_space<vmem>>) offsets(%dma_start3A_155 : memref<200xi32, #tpu.memory_space<vmem>>) semaphore(%arg11 : memref<!tpu.dma_semaphore, #tpu.memory_space<semaphore_mem>>)
      %sub3A_159 = arith.constant 2 : i32
      %sub3A_160 = arith.subi %add3A_142, %sub3A_159 : i32
      %mul3A_161 = arith.constant 200 : i32
      %mul3A_162 = arith.muli %sub3A_160, %mul3A_161 : i32
      %dma_wait3A_163 = tpu.memref_slice %arg5[%mul3A_162] : memref<25600xi32, #tpu.memory_space<vmem>> -> memref<200xi32, #tpu.memory_space<vmem>>
      %dma_wait3A_164 = arith.constant 0 : i32
      %dma_wait3A_165 = arith.constant 0 : i32
      %dma_wait3A_166 = tpu.memref_slice %arg2[%dma_wait3A_164, %dma_wait3A_165] : memref<100000x128xf32, #tpu.memory_space<hbm>> -> memref<100000x128xf32, #tpu.memory_space<hbm>>
      tpu.wait_indirect_dma semaphore(%arg13 : memref<!tpu.dma_semaphore, #tpu.memory_space<semaphore_mem>>) src(%dma_wait3A_166 : memref<100000x128xf32, #tpu.memory_space<hbm>>) dst(%arg9 : memref<200x128xf32, #tpu.memory_space<vmem>>)
      %sub3A_167 = arith.constant 2 : i32
      %sub3A_168 = arith.subi %add3A_142, %sub3A_167 : i32
      %mul3A_169 = arith.constant 200 : i32
      %mul3A_170 = arith.muli %sub3A_168, %mul3A_169 : i32
      %add3A_171 = arith.addi %mul3A_2, %mul3A_170 : i32
      %multiple_of3A_172 = tpu.assume_multiple %add3A_171, 200 : i32
      %dma_start3A_173 = arith.constant 0 : i32
      %dma_start3A_174 = tpu.memref_slice %arg4[%multiple_of3A_172, %dma_start3A_173] : memref<819200x128xf32, #tpu.memory_space<hbm>> -> memref<200x128xf32, #tpu.memory_space<hbm>>
      %dma_start3A_175 = arith.constant 0 : i32
      %dma_start3A_176 = tpu.memref_slice %arg4[%multiple_of3A_172, %dma_start3A_175] : memref<819200x128xf32, #tpu.memory_space<hbm>> -> memref<200x128xf32, #tpu.memory_space<hbm>>
      tpu.enqueue_dma source(%arg9 : memref<200x128xf32, #tpu.memory_space<vmem>>) target(%dma_start3A_176 : memref<200x128xf32, #tpu.memory_space<hbm>>) target_semaphore(%arg17 : memref<!tpu.dma_semaphore, #tpu.memory_space<semaphore_mem>>)
      %mul3A_177 = arith.constant 4 : i32
      %mul3A_178 = arith.muli %scan3A_101, %mul3A_177 : i32
      %add3A_179 = arith.constant 2 : i32
      %add3A_180 = arith.addi %mul3A_178, %add3A_179 : i32
      %sub3A_181 = arith.constant 4 : i32
      %sub3A_182 = arith.subi %add3A_180, %sub3A_181 : i32
      %mul3A_183 = arith.constant 200 : i32
      %mul3A_184 = arith.muli %sub3A_182, %mul3A_183 : i32
      %add3A_185 = arith.addi %mul3A_2, %mul3A_184 : i32
      %multiple_of3A_186 = tpu.assume_multiple %add3A_185, 200 : i32
      %dma_wait3A_187 = arith.constant 0 : i32
      %dma_wait3A_188 = tpu.memref_slice %arg4[%multiple_of3A_186, %dma_wait3A_187] : memref<819200x128xf32, #tpu.memory_space<hbm>> -> memref<200x128xf32, #tpu.memory_space<hbm>>
      %dma_wait3A_189 = arith.constant 0 : i32
      %dma_wait3A_190 = tpu.memref_slice %arg4[%multiple_of3A_186, %dma_wait3A_189] : memref<819200x128xf32, #tpu.memory_space<hbm>> -> memref<200x128xf32, #tpu.memory_space<hbm>>
      tpu.wait_dma2 semaphore(%arg16 : memref<!tpu.dma_semaphore, #tpu.memory_space<semaphore_mem>>) src(%arg8 : memref<200x128xf32, #tpu.memory_space<vmem>>) dst(%dma_wait3A_190 : memref<200x128xf32, #tpu.memory_space<hbm>>)
      %mul3A_191 = arith.constant 200 : i32
      %mul3A_192 = arith.muli %add3A_180, %mul3A_191 : i32
      %dma_start3A_193 = tpu.memref_slice %arg5[%mul3A_192] : memref<25600xi32, #tpu.memory_space<vmem>> -> memref<200xi32, #tpu.memory_space<vmem>>
      %dma_start3A_194 = arith.constant 0 : i32
      %dma_start3A_195 = arith.constant 0 : i32
      %dma_start3A_196 = tpu.memref_slice %arg2[%dma_start3A_194, %dma_start3A_195] : memref<100000x128xf32, #tpu.memory_space<hbm>> -> memref<100000x128xf32, #tpu.memory_space<hbm>>
      tpu.enqueue_indirect_dma source(%dma_start3A_196 : memref<100000x128xf32, #tpu.memory_space<hbm>>) target(%arg8 : memref<200x128xf32, #tpu.memory_space<vmem>>) offsets(%dma_start3A_193 : memref<200xi32, #tpu.memory_space<vmem>>) semaphore(%arg12 : memref<!tpu.dma_semaphore, #tpu.memory_space<semaphore_mem>>)
      %sub3A_197 = arith.constant 2 : i32
      %sub3A_198 = arith.subi %add3A_180, %sub3A_197 : i32
      %mul3A_199 = arith.constant 200 : i32
      %mul3A_200 = arith.muli %sub3A_198, %mul3A_199 : i32
      %dma_wait3A_201 = tpu.memref_slice %arg5[%mul3A_200] : memref<25600xi32, #tpu.memory_space<vmem>> -> memref<200xi32, #tpu.memory_space<vmem>>
      %dma_wait3A_202 = arith.constant 0 : i32
      %dma_wait3A_203 = arith.constant 0 : i32
      %dma_wait3A_204 = tpu.memref_slice %arg2[%dma_wait3A_202, %dma_wait3A_203] : memref<100000x128xf32, #tpu.memory_space<hbm>> -> memref<100000x128xf32, #tpu.memory_space<hbm>>
      tpu.wait_indirect_dma semaphore(%arg10 : memref<!tpu.dma_semaphore, #tpu.memory_space<semaphore_mem>>) src(%dma_wait3A_204 : memref<100000x128xf32, #tpu.memory_space<hbm>>) dst(%arg6 : memref<200x128xf32, #tpu.memory_space<vmem>>)
      %sub3A_205 = arith.constant 2 : i32
      %sub3A_206 = arith.subi %add3A_180, %sub3A_205 : i32
      %mul3A_207 = arith.constant 200 : i32
      %mul3A_208 = arith.muli %sub3A_206, %mul3A_207 : i32
      %add3A_209 = arith.addi %mul3A_2, %mul3A_208 : i32
      %multiple_of3A_210 = tpu.assume_multiple %add3A_209, 200 : i32
      %dma_start3A_211 = arith.constant 0 : i32
      %dma_start3A_212 = tpu.memref_slice %arg4[%multiple_of3A_210, %dma_start3A_211] : memref<819200x128xf32, #tpu.memory_space<hbm>> -> memref<200x128xf32, #tpu.memory_space<hbm>>
      %dma_start3A_213 = arith.constant 0 : i32
      %dma_start3A_214 = tpu.memref_slice %arg4[%multiple_of3A_210, %dma_start3A_213] : memref<819200x128xf32, #tpu.memory_space<hbm>> -> memref<200x128xf32, #tpu.memory_space<hbm>>
      tpu.enqueue_dma source(%arg6 : memref<200x128xf32, #tpu.memory_space<vmem>>) target(%dma_start3A_214 : memref<200x128xf32, #tpu.memory_space<hbm>>) target_semaphore(%arg14 : memref<!tpu.dma_semaphore, #tpu.memory_space<semaphore_mem>>)
      %mul3A_215 = arith.constant 4 : i32
      %mul3A_216 = arith.muli %scan3A_101, %mul3A_215 : i32
      %add3A_217 = arith.constant 3 : i32
      %add3A_218 = arith.addi %mul3A_216, %add3A_217 : i32
      %sub3A_219 = arith.constant 4 : i32
      %sub3A_220 = arith.subi %add3A_218, %sub3A_219 : i32
      %mul3A_221 = arith.constant 200 : i32
      %mul3A_222 = arith.muli %sub3A_220, %mul3A_221 : i32
      %add3A_223 = arith.addi %mul3A_2, %mul3A_222 : i32
      %multiple_of3A_224 = tpu.assume_multiple %add3A_223, 200 : i32
      %dma_wait3A_225 = arith.constant 0 : i32
      %dma_wait3A_226 = tpu.memref_slice %arg4[%multiple_of3A_224, %dma_wait3A_225] : memref<819200x128xf32, #tpu.memory_space<hbm>> -> memref<200x128xf32, #tpu.memory_space<hbm>>
      %dma_wait3A_227 = arith.constant 0 : i32
      %dma_wait3A_228 = tpu.memref_slice %arg4[%multiple_of3A_224, %dma_wait3A_227] : memref<819200x128xf32, #tpu.memory_space<hbm>> -> memref<200x128xf32, #tpu.memory_space<hbm>>
      tpu.wait_dma2 semaphore(%arg17 : memref<!tpu.dma_semaphore, #tpu.memory_space<semaphore_mem>>) src(%arg9 : memref<200x128xf32, #tpu.memory_space<vmem>>) dst(%dma_wait3A_228 : memref<200x128xf32, #tpu.memory_space<hbm>>)
      %mul3A_229 = arith.constant 200 : i32
      %mul3A_230 = arith.muli %add3A_218, %mul3A_229 : i32
      %dma_start3A_231 = tpu.memref_slice %arg5[%mul3A_230] : memref<25600xi32, #tpu.memory_space<vmem>> -> memref<200xi32, #tpu.memory_space<vmem>>
      %dma_start3A_232 = arith.constant 0 : i32
      %dma_start3A_233 = arith.constant 0 : i32
      %dma_start3A_234 = tpu.memref_slice %arg2[%dma_start3A_232, %dma_start3A_233] : memref<100000x128xf32, #tpu.memory_space<hbm>> -> memref<100000x128xf32, #tpu.memory_space<hbm>>
      tpu.enqueue_indirect_dma source(%dma_start3A_234 : memref<100000x128xf32, #tpu.memory_space<hbm>>) target(%arg9 : memref<200x128xf32, #tpu.memory_space<vmem>>) offsets(%dma_start3A_231 : memref<200xi32, #tpu.memory_space<vmem>>) semaphore(%arg13 : memref<!tpu.dma_semaphore, #tpu.memory_space<semaphore_mem>>)
      %sub3A_235 = arith.constant 2 : i32
      %sub3A_236 = arith.subi %add3A_218, %sub3A_235 : i32
      %mul3A_237 = arith.constant 200 : i32
      %mul3A_238 = arith.muli %sub3A_236, %mul3A_237 : i32
      %dma_wait3A_239 = tpu.memref_slice %arg5[%mul3A_238] : memref<25600xi32, #tpu.memory_space<vmem>> -> memref<200xi32, #tpu.memory_space<vmem>>
      %dma_wait3A_240 = arith.constant 0 : i32
      %dma_wait3A_241 = arith.constant 0 : i32
      %dma_wait3A_242 = tpu.memref_slice %arg2[%dma_wait3A_240, %dma_wait3A_241] : memref<100000x128xf32, #tpu.memory_space<hbm>> -> memref<100000x128xf32, #tpu.memory_space<hbm>>
      tpu.wait_indirect_dma semaphore(%arg11 : memref<!tpu.dma_semaphore, #tpu.memory_space<semaphore_mem>>) src(%dma_wait3A_242 : memref<100000x128xf32, #tpu.memory_space<hbm>>) dst(%arg7 : memref<200x128xf32, #tpu.memory_space<vmem>>)
      %sub3A_243 = arith.constant 2 : i32
      %sub3A_244 = arith.subi %add3A_218, %sub3A_243 : i32
      %mul3A_245 = arith.constant 200 : i32
      %mul3A_246 = arith.muli %sub3A_244, %mul3A_245 : i32
      %add3A_247 = arith.addi %mul3A_2, %mul3A_246 : i32
      %multiple_of3A_248 = tpu.assume_multiple %add3A_247, 200 : i32
      %dma_start3A_249 = arith.constant 0 : i32
      %dma_start3A_250 = tpu.memref_slice %arg4[%multiple_of3A_248, %dma_start3A_249] : memref<819200x128xf32, #tpu.memory_space<hbm>> -> memref<200x128xf32, #tpu.memory_space<hbm>>
      %dma_start3A_251 = arith.constant 0 : i32
      %dma_start3A_252 = tpu.memref_slice %arg4[%multiple_of3A_248, %dma_start3A_251] : memref<819200x128xf32, #tpu.memory_space<hbm>> -> memref<200x128xf32, #tpu.memory_space<hbm>>
      tpu.enqueue_dma source(%arg7 : memref<200x128xf32, #tpu.memory_space<vmem>>) target(%dma_start3A_252 : memref<200x128xf32, #tpu.memory_space<hbm>>) target_semaphore(%arg15 : memref<!tpu.dma_semaphore, #tpu.memory_space<semaphore_mem>>)
    }
    %scan3A_48 = arith.constant 31 : i32
    %dma_wait3A_49 = arith.constant 25200 : i32
    %dma_wait3A_50 = tpu.memref_slice %arg5[%dma_wait3A_49] : memref<25600xi32, #tpu.memory_space<vmem>> -> memref<200xi32, #tpu.memory_space<vmem>>
    %dma_wait3A_51 = arith.constant 0 : i32
    %dma_wait3A_52 = arith.constant 0 : i32
    %dma_wait3A_53 = tpu.memref_slice %arg2[%dma_wait3A_51, %dma_wait3A_52] : memref<100000x128xf32, #tpu.memory_space<hbm>> -> memref<100000x128xf32, #tpu.memory_space<hbm>>
    tpu.wait_indirect_dma semaphore(%arg12 : memref<!tpu.dma_semaphore, #tpu.memory_space<semaphore_mem>>) src(%dma_wait3A_53 : memref<100000x128xf32, #tpu.memory_space<hbm>>) dst(%arg8 : memref<200x128xf32, #tpu.memory_space<vmem>>)
    %add3A_54 = arith.constant 25200 : i32
    %add3A_55 = arith.addi %mul3A_2, %add3A_54 : i32
    %multiple_of3A_56 = tpu.assume_multiple %add3A_55, 200 : i32
    %dma_start3A_57 = arith.constant 0 : i32
    %dma_start3A_58 = tpu.memref_slice %arg4[%multiple_of3A_56, %dma_start3A_57] : memref<819200x128xf32, #tpu.memory_space<hbm>> -> memref<200x128xf32, #tpu.memory_space<hbm>>
    %dma_start3A_59 = arith.constant 0 : i32
    %dma_start3A_60 = tpu.memref_slice %arg4[%multiple_of3A_56, %dma_start3A_59] : memref<819200x128xf32, #tpu.memory_space<hbm>> -> memref<200x128xf32, #tpu.memory_space<hbm>>
    tpu.enqueue_dma source(%arg8 : memref<200x128xf32, #tpu.memory_space<vmem>>) target(%dma_start3A_60 : memref<200x128xf32, #tpu.memory_space<hbm>>) target_semaphore(%arg16 : memref<!tpu.dma_semaphore, #tpu.memory_space<semaphore_mem>>)
    %dma_wait3A_61 = arith.constant 25400 : i32
    %dma_wait3A_62 = tpu.memref_slice %arg5[%dma_wait3A_61] : memref<25600xi32, #tpu.memory_space<vmem>> -> memref<200xi32, #tpu.memory_space<vmem>>
    %dma_wait3A_63 = arith.constant 0 : i32
    %dma_wait3A_64 = arith.constant 0 : i32
    %dma_wait3A_65 = tpu.memref_slice %arg2[%dma_wait3A_63, %dma_wait3A_64] : memref<100000x128xf32, #tpu.memory_space<hbm>> -> memref<100000x128xf32, #tpu.memory_space<hbm>>
    tpu.wait_indirect_dma semaphore(%arg13 : memref<!tpu.dma_semaphore, #tpu.memory_space<semaphore_mem>>) src(%dma_wait3A_65 : memref<100000x128xf32, #tpu.memory_space<hbm>>) dst(%arg9 : memref<200x128xf32, #tpu.memory_space<vmem>>)
    %add3A_66 = arith.constant 25400 : i32
    %add3A_67 = arith.addi %mul3A_2, %add3A_66 : i32
    %multiple_of3A_68 = tpu.assume_multiple %add3A_67, 200 : i32
    %dma_start3A_69 = arith.constant 0 : i32
    %dma_start3A_70 = tpu.memref_slice %arg4[%multiple_of3A_68, %dma_start3A_69] : memref<819200x128xf32, #tpu.memory_space<hbm>> -> memref<200x128xf32, #tpu.memory_space<hbm>>
    %dma_start3A_71 = arith.constant 0 : i32
    %dma_start3A_72 = tpu.memref_slice %arg4[%multiple_of3A_68, %dma_start3A_71] : memref<819200x128xf32, #tpu.memory_space<hbm>> -> memref<200x128xf32, #tpu.memory_space<hbm>>
    tpu.enqueue_dma source(%arg9 : memref<200x128xf32, #tpu.memory_space<vmem>>) target(%dma_start3A_72 : memref<200x128xf32, #tpu.memory_space<hbm>>) target_semaphore(%arg17 : memref<!tpu.dma_semaphore, #tpu.memory_space<semaphore_mem>>)
    %add3A_73 = arith.constant 24800 : i32
    %add3A_74 = arith.addi %mul3A_2, %add3A_73 : i32
    %multiple_of3A_75 = tpu.assume_multiple %add3A_74, 200 : i32
    %dma_wait3A_76 = arith.constant 0 : i32
    %dma_wait3A_77 = tpu.memref_slice %arg4[%multiple_of3A_75, %dma_wait3A_76] : memref<819200x128xf32, #tpu.memory_space<hbm>> -> memref<200x128xf32, #tpu.memory_space<hbm>>
    %dma_wait3A_78 = arith.constant 0 : i32
    %dma_wait3A_79 = tpu.memref_slice %arg4[%multiple_of3A_75, %dma_wait3A_78] : memref<819200x128xf32, #tpu.memory_space<hbm>> -> memref<200x128xf32, #tpu.memory_space<hbm>>
    tpu.wait_dma2 semaphore(%arg14 : memref<!tpu.dma_semaphore, #tpu.memory_space<semaphore_mem>>) src(%arg6 : memref<200x128xf32, #tpu.memory_space<vmem>>) dst(%dma_wait3A_79 : memref<200x128xf32, #tpu.memory_space<hbm>>)
    %add3A_80 = arith.constant 25000 : i32
    %add3A_81 = arith.addi %mul3A_2, %add3A_80 : i32
    %multiple_of3A_82 = tpu.assume_multiple %add3A_81, 200 : i32
    %dma_wait3A_83 = arith.constant 0 : i32
    %dma_wait3A_84 = tpu.memref_slice %arg4[%multiple_of3A_82, %dma_wait3A_83] : memref<819200x128xf32, #tpu.memory_space<hbm>> -> memref<200x128xf32, #tpu.memory_space<hbm>>
    %dma_wait3A_85 = arith.constant 0 : i32
    %dma_wait3A_86 = tpu.memref_slice %arg4[%multiple_of3A_82, %dma_wait3A_85] : memref<819200x128xf32, #tpu.memory_space<hbm>> -> memref<200x128xf32, #tpu.memory_space<hbm>>
    tpu.wait_dma2 semaphore(%arg15 : memref<!tpu.dma_semaphore, #tpu.memory_space<semaphore_mem>>) src(%arg7 : memref<200x128xf32, #tpu.memory_space<vmem>>) dst(%dma_wait3A_86 : memref<200x128xf32, #tpu.memory_space<hbm>>)
    %add3A_87 = arith.constant 25200 : i32
    %add3A_88 = arith.addi %mul3A_2, %add3A_87 : i32
    %multiple_of3A_89 = tpu.assume_multiple %add3A_88, 200 : i32
    %dma_wait3A_90 = arith.constant 0 : i32
    %dma_wait3A_91 = tpu.memref_slice %arg4[%multiple_of3A_89, %dma_wait3A_90] : memref<819200x128xf32, #tpu.memory_space<hbm>> -> memref<200x128xf32, #tpu.memory_space<hbm>>
    %dma_wait3A_92 = arith.constant 0 : i32
    %dma_wait3A_93 = tpu.memref_slice %arg4[%multiple_of3A_89, %dma_wait3A_92] : memref<819200x128xf32, #tpu.memory_space<hbm>> -> memref<200x128xf32, #tpu.memory_space<hbm>>
    tpu.wait_dma2 semaphore(%arg16 : memref<!tpu.dma_semaphore, #tpu.memory_space<semaphore_mem>>) src(%arg8 : memref<200x128xf32, #tpu.memory_space<vmem>>) dst(%dma_wait3A_93 : memref<200x128xf32, #tpu.memory_space<hbm>>)
    %add3A_94 = arith.constant 25400 : i32
    %add3A_95 = arith.addi %mul3A_2, %add3A_94 : i32
    %multiple_of3A_96 = tpu.assume_multiple %add3A_95, 200 : i32
    %dma_wait3A_97 = arith.constant 0 : i32
    %dma_wait3A_98 = tpu.memref_slice %arg4[%multiple_of3A_96, %dma_wait3A_97] : memref<819200x128xf32, #tpu.memory_space<hbm>> -> memref<200x128xf32, #tpu.memory_space<hbm>>
    %dma_wait3A_99 = arith.constant 0 : i32
    %dma_wait3A_100 = tpu.memref_slice %arg4[%multiple_of3A_96, %dma_wait3A_99] : memref<819200x128xf32, #tpu.memory_space<hbm>> -> memref<200x128xf32, #tpu.memory_space<hbm>>
    tpu.wait_dma2 semaphore(%arg17 : memref<!tpu.dma_semaphore, #tpu.memory_space<semaphore_mem>>) src(%arg9 : memref<200x128xf32, #tpu.memory_space<vmem>>) dst(%dma_wait3A_100 : memref<200x128xf32, #tpu.memory_space<hbm>>)
    return
  }
}

module attributes {stable_mosaic.version = 14 : i64} {
  func.func @_proj_body(%arg0: i32, %arg1: memref<10000x128xf32, #tpu.memory_space<vmem>>, %arg2: memref<128x128xf32, #tpu.memory_space<vmem>>, %arg3: memref<10000x128xf32, #tpu.memory_space<vmem>>) attributes {dimension_semantics = [#tpu.dimension_semantics<arbitrary>], iteration_bounds = array<i64: 10>, scalar_prefetch = 0 : i64, scratch_operands = 0 : i64, tpu.core_type = #tpu.core_type<tc>, window_params = [{transform_indices = @transform_0, window_bounds = array<i64: 10000, 128>}, {pipeline_mode = #tpu.pipeline_mode<synchronous>, transform_indices = @transform_1, window_bounds = array<i64: 128, 128>}, {transform_indices = @transform_2, window_bounds = array<i64: 10000, 128>}]} {
    %get3A = arith.constant 0 : index
    %get3A_0 = arith.constant 0 : index
    %get3A_1 = vector.load %arg1[%get3A, %get3A_0] : memref<10000x128xf32, #tpu.memory_space<vmem>>, vector<10000x128xf32>
    %get3A_2 = arith.constant 0 : index
    %get3A_3 = arith.constant 0 : index
    %get3A_4 = vector.load %arg2[%get3A_2, %get3A_3] : memref<128x128xf32, #tpu.memory_space<vmem>>, vector<128x128xf32>
    %dot_general3A = arith.constant dense<0.000000e+00> : vector<10000x128xf32>
    %dot_general3A_5 = tpu.matmul %get3A_1, %get3A_4, %dot_general3A {dimension_numbers = #tpu.dot_dimension_numbers<[1], [1], [0], [0], [0, 0, 1, 0], [], []>, transpose_lhs_hint = false} : vector<10000x128xf32>, vector<128x128xf32>, vector<10000x128xf32> -> vector<10000x128xf32>
    %swap3A = arith.constant 0 : index
    %swap3A_6 = arith.constant 0 : index
    %swap3A_7 = vector.load %arg3[%swap3A, %swap3A_6] : memref<10000x128xf32, #tpu.memory_space<vmem>>, vector<10000x128xf32>
    tpu.vector_store %arg3[%swap3A, %swap3A_6], %dot_general3A_5 {strides = array<i32>} : memref<10000x128xf32, #tpu.memory_space<vmem>>, vector<10000x128xf32>,
    return
  }
  func.func @transform_0(%arg0: i32) -> (i32, i32) {
    %c0_i32 = arith.constant 0 : i32
    %c0_i32_0 = arith.constant 0 : i32
    return %arg0, %c0_i32 : i32, i32
  }
  func.func @transform_1(%arg0: i32) -> (i32, i32) {
    %c0_i32 = arith.constant 0 : i32
    %c0_i32_0 = arith.constant 0 : i32
    %c0_i32_1 = arith.constant 0 : i32
    return %c0_i32, %c0_i32_0 : i32, i32
  }
  func.func @transform_2(%arg0: i32) -> (i32, i32) {
    %c0_i32 = arith.constant 0 : i32
    %c0_i32_0 = arith.constant 0 : i32
    return %arg0, %c0_i32 : i32, i32
  }
}

</mosaic_0001>

<sc_bundles>
// kernel: kernel.4.cloned.1.call-start
scs
__scs_entry_jumppad:
0x0: {  	(pc) =	sbr.rel $0x88, $3  }
0x1: {  	(tag) =	ssettag $0x0;
	lr =	simm.s32 $0x1  }
0x2: {  	[smem:$0x3F9E] =	sst lr;
	_ =	strace $0xD0000000  }
0x3: {  	_ = 	snop  }
0x4: {  	_ = 	snop  }
0x5: {  	_ = 	snop  }
0x6: {  	_ = 	snop  }
0x7: {  	_ = 	snop  }
__scs_overlays_trampoline_lowered:
0x8: {  	[smem:$0x3FAD] =	sst s0  }
0x9: {  	[smem:$0x3FAE] =	sst s1  }
0xa: {  	[smem:$0x3FAF] =	sst s2  }
0xb: {  	[smem:$0x3FB0] =	sst s3  }
0xc: {  	[smem:$0x3FB1] =	sst s4  }
0xd: {  	[smem:$0x3FB2] =	sst s5  }
0xe: {  	[smem:$0x3FB3] =	sst s6  }
0xf: {  	[smem:$0x3FB4] =	sst s7  }
0x10: {  	[smem:$0x3FB5] =	sst s8  }
0x11: {  	[smem:$0x3FB6] =	sst s9;
	s0 =	simm.s32 @!p0 $0x0  }
0x12: {  	s1 =	sld [smem:$0x3F9C];
	s0 =	simm.s32 @p0 $0x1  }
0x13: {  	[smem:$0x3FB7] =	sst s0;
	s0 =	simm.s32 @!p1 $0x0  }
0x14: {  	s2 =	sld [smem:$0x3F9B];
	s0 =	simm.s32 @p1 $0x1  }
0x15: {  	[smem:$0x3FB8] =	sst s0;
	s0 =	simm.s32 @!p2 $0x0  }
0x16: {  	s3 =	sld [smem:$0x3FDB];
	s0 =	simm.s32 @p2 $0x1  }
0x17: {  	s4 =	simm.s32 $0x1BF5;
	[smem:$0x3FBA] =	sst s0  }
0x18: {  	s0 =	sld [smem:$0x3F9D];
	_ =	swait.ge [sflag:s4], $0x0  }
0x19: {  	s7 =	sld [smem:$0x3F9E]  }
0x1a: {  	s8 =	sadd.s32 $0xFFFFE003, lr  }
0x1b: {  	s9 =	sadd.s32 $0xFFFFFEF7, lr;
	s5 =	simm.s32 $0xFFFFFFFF;
	p2 =	slt.u32 s8, $0xFFFFF086  }
0x1c: {  	p1 =	slt.u32 s9, $0xF7A;
	s5 =	simm.s32 @!p2 $0x0  }
0x1d: {  	s5 =	simm.s32 @p1 $0x1;
	p0 =	seq.s32 s7, s2  }
0x1e: {  	s7 =	smul.u32 @!p0 $0xF7A, s2;
	p2 =	seq.s32 @!p0 s5, $0x0  }
0x1f: {  	s9 =	smul.u32 $0xF7A, s1;
	s8 =	simm.s32 @!p0 $0x1BF5;
	p2 =	por !p2, p0  }
0x20: {  	[sflag:s8] =	ssyncset.s32 @!p0 $0xFFFFF086;
	s6 =	sadd.s32 @!p0 s3, s7;
	s7 =	simm.s32 @!p0 $0x108  }
0x21: {  	s3 =	sadd.s32 s3, s9;
	s6 =	sadd.s32 @!p0 $0x88, s6;
	s7 =	simm.s32 @p2 $0x1082  }
0x22: {  	[simem:s7], [sflag:s8] =	dma.local @!p0 [hbm:s6], $0xF7A  }
0x23: {  	s9 =	sor.u32 $0xD0000000, s2;
	s6 =	simm.s32 $0x108;
	_ =	swait.ge @!p0 [sflag:s8], $0x0  }
0x24: {  	s3 =	sadd.s32 $0x88, s3;
	s6 =	simm.s32 @!p1 $0x1082;
	[sflag:s4] =	ssyncset.s32 $0xFFFFF086  }
0x25: {  	[simem:s6], [sflag:s4] =	dma.local [hbm:s3], $0xF7A  }
0x26: {  	[smem:$0x3F9E] =	sst s1;
	(tag) =	ssettag s2;
	_ =	strace s9  }
0x27: {  	s1 =	sld [smem:$0x3FAE]  }
0x28: {  	s2 =	sld [smem:$0x3FAF]  }
0x29: {  	s4 =	sld [smem:$0x3FB1]  }
0x2a: {  	p0 =	seq.s32 s5, $0x0;
	s5 =	sld [smem:$0x3FB2]  }
0x2b: {  	s6 =	sld [smem:$0x3FB3]  }
0x2c: {  	s7 =	sld [smem:$0x3FB4]  }
0x2d: {  	s3 =	simm.s32 $0x108;
	s8 =	sld [smem:$0x3FB5]  }
0x2e: {  	s3 =	simm.s32 @!p0 $0x1082;
	s9 =	sld [smem:$0x3FB6]  }
0x2f: {  	lr =	sadd.s32 s0, s3;
	s0 =	sld [smem:$0x3FAD]  }
0x30: {  	s3 =	sld [smem:$0x3FB0]  }
0x31: {  	[smem:$0x3FB9] =	sst s10  }
0x32: {  	s10 =	sld [smem:$0x3FB7];
	_ =	sdelay $0x3  }
0x33: {  	p0 =	seq.s32 s10, $0x1;
	s10 =	sld [smem:$0x3FB9];
	_ =	sdelay $0x3  }
0x34: {  	[smem:$0x3FB9] =	sst s10  }
0x35: {  	s10 =	sld [smem:$0x3FB8];
	_ =	sdelay $0x3  }
0x36: {  	p1 =	seq.s32 s10, $0x1;
	s10 =	sld [smem:$0x3FB9];
	_ =	sdelay $0x3  }
0x37: {  	[smem:$0x3FB9] =	sst s10  }
0x38: {  	s10 =	sld [smem:$0x3FBA]  }
0x39: {  	_ = 	snop;
	(pc) =	sbr.ind lr, $3  }
0x3a: {  	_ = 	snop  }
0x3b: {  	_ = 	snop  }
0x3c: {  	p2 =	seq.s32 s10, $0x1;
	s10 =	sld [smem:$0x3FB9]  }
0x3d: {  	_ =	shalt  }
0x3e: {  	_ =	shalt  }
0x3f: {  	_ =	shalt  }
0x40: {  	_ =	shalt  }
0x41: {  	_ =	shalt  }
0x42: {  	_ =	shalt  }
0x43: {  	_ =	shalt  }
0x44: {  	_ =	shalt  }
0x45: {  	_ =	shalt  }
0x46: {  	_ =	shalt  }
0x47: {  	_ =	shalt  }
0x48: {  	_ =	shalt  }
0x49: {  	_ =	shalt  }
0x4a: {  	_ =	shalt  }
0x4b: {  	_ =	shalt  }
0x4c: {  	_ =	shalt  }
0x4d: {  	_ =	shalt  }
0x4e: {  	_ =	shalt  }
0x4f: {  	_ =	shalt  }
0x50: {  	_ =	shalt  }
0x51: {  	_ =	shalt  }
0x52: {  	_ =	shalt  }
0x53: {  	_ =	shalt  }
0x54: {  	_ =	shalt  }
0x55: {  	_ =	shalt  }
0x56: {  	_ =	shalt  }
0x57: {  	_ =	shalt  }
0x58: {  	_ =	shalt  }
0x59: {  	_ =	shalt  }
0x5a: {  	_ =	shalt  }
0x5b: {  	_ =	shalt  }
0x5c: {  	_ =	shalt  }
0x5d: {  	_ =	shalt  }
0x5e: {  	_ =	shalt  }
0x5f: {  	_ =	shalt  }
0x60: {  	_ =	shalt  }
0x61: {  	_ =	shalt  }
0x62: {  	_ =	shalt  }
0x63: {  	_ =	shalt  }
0x64: {  	_ =	shalt  }
0x65: {  	_ =	shalt  }
0x66: {  	_ =	shalt  }
0x67: {  	_ =	shalt  }
0x68: {  	_ =	shalt  }
0x69: {  	_ =	shalt  }
0x6a: {  	_ =	shalt  }
0x6b: {  	_ =	shalt  }
0x6c: {  	_ =	shalt  }
0x6d: {  	_ =	shalt  }
0x6e: {  	_ =	shalt  }
0x6f: {  	_ =	shalt  }
0x70: {  	_ =	shalt  }
0x71: {  	_ =	shalt  }
0x72: {  	_ =	shalt  }
0x73: {  	_ =	shalt  }
0x74: {  	_ =	shalt  }
0x75: {  	_ =	shalt  }
0x76: {  	_ =	shalt  }
0x77: {  	_ =	shalt  }
0x78: {  	_ =	shalt  }
0x79: {  	_ =	shalt  }
0x7a: {  	_ =	shalt  }
0x7b: {  	_ =	shalt  }
0x7c: {  	_ =	shalt  }
0x7d: {  	_ =	shalt  }
0x7e: {  	_ =	shalt  }
0x7f: {  	_ =	shalt  }
0x80: {  	_ =	shalt  }
0x81: {  	_ =	shalt  }
0x82: {  	_ =	shalt  }
0x83: {  	_ =	shalt  }
0x84: {  	_ =	shalt  }
0x85: {  	_ =	shalt  }
0x86: {  	_ =	shalt  }
0x87: {  	_ =	shalt  }
.Lfunc_end0:
.L_simem_size_0:
called_computation_lowered:
.L_overlay_start_0:
0x88: {  	s2 =	sld [smem:$0x3FD9]  }
0x89: {  	s3 =	sld [smem:$0x3FFE];
	_ =	sdelay $0x1  }
0x8a: {  	s1 =	srdreg.scid  }
0x8b: {  	s0 =	sand.u32 $0x1, s1  }
0x8c: {  	s17 =	sshll.u32 s0, $0xA;
	s2 =	sadd.s32 s3, s2  }
0x8d: {  	s2 =	sadd.s32 s2, s17  }
0x8e: {  	[smem:$0x3FC5] =	sst s2  }
0x8f: {  	_ = 	snop  }
0x90: {  	s2 =	sld [smem:$0x3FD0];
	(tm) =	ssettm $0x1  }
0x91: {  	s18 =	sld [smem:$0x3FFB];
	_ =	sdelay $0x3  }
0x92: {  	_ =	strace s18  }
0x93: {  	s3 =	sld [smem:$0x3FFC];
	_ =	sdelay $0x3  }
0x94: {  	_ =	strace s3  }
0x95: {  	s3 =	sld [smem:$0x3FFD];
	_ =	sdelay $0x3  }
0x96: {  	_ =	strace s3  }
0x97: {  	_ =	strace $0x8FFFFFFF  }
0x98: {  	s19 =	sld [smem:$0x3FDB];
	_ =	sdelay $0x1  }
0x99: {  	s4 =	simm.s32 $_scs_section_size  }
0x9a: {  	s5 =	simm.s32 $_size__tile_overlayer_lowered;
	s6 =	simm.s32 $_tile_overlayer_lowered  }
0x9b: {  	s22 =	simm.s32 $0x1BFF;
	s21 =	sshll.u32 s6, $0x1;
	s3 =	sadd.s32 s4, s19  }
0x9c: {  	s7 =	simm.s32 $0x0;
	s20 =	sshll.u32 s5, $0x1;
	s5 =	sadd.s32 s21, s3  }
0x9d: {  	[timem:s7], [sflag:s22] =	dma.local [hbm:s5], s20  }
0x9e: {  	_ =	swait.ge [sflag:s22], s20  }
0x9f: {  	s4 =	ssub.s32 $0x0, s20;
	[sflag:s22] =	ssyncset.done $0x0  }
0xa0: {  	[sflag:s22] =	ssyncadd.s32 s4;
	_ =	sdelay $0x1  }
0xa1: {  	s23 =	simm.s32 $0x1B8B  }
0xa2: {  	_ =	swait.ge [sflag:s23], $0x1  }
0xa3: {  	[sflag:s23] =	ssyncset.done $0x0  }
0xa4: {  	s25 =	simm.s32 $0x1B8E;
	s24 =	sld [smem:$0x3FFE];
	[sflag:s23] =	ssyncadd.s32 $0xFFFFFFFF  }
0xa5: {  	s26 =	simm.s32 $execute0_lowered;
	[smem:$0x3FD2] =	sst s25  }
0xa6: {  	s5 =	sshll.u32 s26, $0x1;
	_ =	strace $0x80000046;
	[dreg:$0x1] =	wrdreg $0xFFFFFFFF  }
0xa7: {  	s28 =	simm.s32 $_size_execute0_lowered;
	s3 =	sadd.s32 s3, s5;
	[dreg:$0x0] =	wrdreg $0x0  }
0xa8: {  	s5 =	sshll.u32 s28, $0x1;
	[dreg:$0x2] =	wrdreg s3  }
0xa9: {  	[dreg:$0x3] =	wrdreg s5  }
0xaa: {  	[dreg:$0x4] =	wrdreg $0xC0  }
0xab: {  	_ =	task [dreg:s7], $0x5FFFF  }
0xac: {  	[dreg:$0x1] =	wrdreg $0xFFFFFFFF  }
0xad: {  	[dreg:$0x0] =	wrdreg $0x60  }
0xae: {  	[dreg:$0x2] =	wrdreg s24  }
0xaf: {  	[dreg:$0x3] =	wrdreg s2  }
0xb0: {  	[dreg:$0x4] =	wrdreg $0x9  }
0xb1: {  	_ =	task.clear_ibuf [dreg:s7], $0x5FFFF;
	_ =	strace $0x90000046  }
0xb2: {  	s29 =	simm.s32 $0x9;
	_ =	strace $0x80000048  }
0xb3: {  	_ =	swait.ge [sflag:s29], $0x1  }
0xb4: {  	[sflag:s29] =	ssyncadd.s32 $0xFFFFFFFF  }
0xb5: {  	_ =	strace $0x90000048  }
0xb6: {  	_ =	sfence  }
0xb7: {  	s30 =	sld [smem:$0x0];
	_ =	sdelay $0x2  }
0xb8: {  	s31 =	sshll.u32 s1, $0xD;
	s1 =	sshrl.u32 s1, $0x2  }
0xb9: {  	s3 =	sand.u32 $0x4000, s31;
	s1 =	sadd.s32 s1, s30  }
0xba: {  	s0 =	sor.u32 s3, s0;
	s1 =	sshll.u32 s1, $0x11  }
0xbb: {  	s0 =	sor.u32 s1, s0  }
0xbc: {  	s0 =	sadd.s32 $0x8F2B, s0  }
0xbd: {  	[sflag:s0] =	ssyncadd.remote.s32 $0x1  }
0xbe: {  	_ =	sfence.sel $0xFFFF  }
0xbf: {  	[dreg:$0x0] =	wrdreg $0xFFFFFFFF;
	(pc) =	sbr.abs _section_cstart, $3  }
0xc0: {  	[dreg:$0x1] =	wrdreg $0xFFFFFFFF  }
0xc1: {  	_ =	task.clear_ibuf [dreg:s7], $0x2FFFF;
	_ =	strace $0x9FFFFFFF  }
0xc2: {  	(tm) =	ssettm $0x7FFFFFFF  }
0xc3: {  	_ =	shalt  }
tec
execute0_lowered:
.L_overlay_start_1:
0x0: {  	(tag) =	ssettag $0x1  }
0x1: {  	s4 =	rddreg [dreg:$0x0];
	s1 =	srdreg.scid  }
0x2: {  	s0 =	stileid.u32;
	s8 =	rddreg [dreg:$0x1]  }
0x3: {  	s2 =	simm.s32 $0x0;
	s12 =	simm.s32 $0xC8;
	s13 =	simm.s32 $0x6400  }
0x4: {  	s14 =	simm.s32 $0xC800;
	s15 =	simm.s32 $0x190;
	s16 =	simm.s32 $0x12C00  }
0x5: {  	s17 =	simm.s32 $0x1;
	s18 =	simm.s32 $0x258;
	s19 =	simm.s32 $0x19000  }
0x6: {  	s20 =	simm.s32 $0x2;
	s21 =	simm.s32 $0x5;
	s22 =	simm.s32 $0x3  }
0x7: {  	s23 =	simm.s32 $0x6;
	s24 =	simm.s32 $0x4;
	s25 =	simm.s32 $0x7  }
0x8: {  	s26 =	simm.s32 $0x8;
	s6 =	sand.u32 $0x1, s1;
	s3 =	sshll.u32 s0, $0x1  }
0x9: {  	s28 =	simm.s32 $0x0;
	s31 =	smul.u32 $0xC8000, s0;
	s5 =	sor.u32 s6, s3  }
0xa: {  	[smem:$0x7FF] =	sst s2;
	s9 =	ssub.s32 $0x2, s6;
	s7 =	smul.u32 $0x6400, s5  }
0xb: {  	_ =	strace $0x80000047;
	s10 =	sshrl.u32 s9, $0x1;
	s5 =	smul.u32 $0x64000, s5  }
0xc: {  	s3 =	sadd.s32 $0x19600, s4;
	s11 =	smul.u32 $0x64000, s6;
	s9 =	ssub.s32 s9, s10  }
0xd: {  	s10 =	sadd.s32 s31, s8;
	s7 =	sshrl.u32 s7, $0x3;
	s5 =	sadd.s32 s8, s5  }
0xe: {  	s9 =	smax.u32 s9, $0x1;
	s10 =	sadd.s32 s11, s10;
	s11 =	simm.s32 $0x9  }
0xf: {  	s4 =	sadd.s32 s7, s4;
	s6 =	sadd.s32 $0xC80, s5;
	s7 =	sadd.s32 $0x62700, s5  }
0x10: {  	s8 =	sadd.s32 $0x63380, s5;
	s10 =	sadd.s32 $0x2580, s10;
	s4 =	sadd.s32 $0x600, s4  }
.LBB2_1:
0x11: {  	[tilespmem:s2], [sflag:$0x9] =	stream.linear.gather [hbm4b:s4+s2], $0x6400, $0x38;
	[tilespmem:$0x1F400] =	vst v63  }
0x12: {  	_ =	swait.ge [sflag:s11], $0x6400  }
0x13: {  	[sflag:s11] =	ssyncset.done $0x0  }
0x14: {  	[sflag:s11] =	ssyncadd.s32 $0xFFFF9C00  }
0x15: {  	[tilespmem:s13], [sflag:$0x1] =	stream.indirect.gather [hbm4b:s3+s12], $0x80, s2, s12, $0xb8;
	[tilespmem:$0x1F400] =	vst v63  }
0x16: {  	_ = 	snop  }
0x17: {  	[tilespmem:s14], [sflag:$0x2] =	stream.indirect.gather [hbm4b:s3+s12], $0x80, s12, s12, $0xb8;
	[tilespmem:$0x1F400] =	vst v63  }
0x18: {  	_ = 	snop  }
0x19: {  	[tilespmem:s16], [sflag:$0x3] =	stream.indirect.gather [hbm4b:s3+s12], $0x80, s15, s12, $0xb8;
	[tilespmem:$0x1F400] =	vst v63  }
0x1a: {  	_ =	swait.ge [sflag:s17], $0x6400  }
0x1b: {  	[sflag:s17] =	ssyncset.done $0x0  }
0x1c: {  	[sflag:s17] =	ssyncadd.s32 $0xFFFF9C00  }
0x1d: {  	[hbm4b:s5+s2] =	stream.linear.scatter [tilespmem:s13], [sflag:$0x5], $0x6400, $0x38;
	[tilespmem:$0x1F400] =	vst v63  }
0x1e: {  	_ = 	snop  }
0x1f: {  	[tilespmem:s19], [sflag:$0x4] =	stream.indirect.gather [hbm4b:s3+s12], $0x80, s18, s12, $0xb8;
	[tilespmem:$0x1F400] =	vst v63  }
0x20: {  	_ =	swait.ge [sflag:s20], $0x6400  }
0x21: {  	[sflag:s20] =	ssyncset.done $0x0  }
0x22: {  	[sflag:s20] =	ssyncadd.s32 $0xFFFF9C00  }
0x23: {  	[hbm4b:s6+s2] =	stream.linear.scatter [tilespmem:s14], [sflag:$0x6], $0x6400, $0x38;
	[tilespmem:$0x1F400] =	vst v63  }
0x24: {  	_ =	swait.ge [sflag:s21], $0x6400  }
0x25: {  	[sflag:s21] =	ssyncset.done $0x0  }
0x26: {  	s29 =	simm.s32 $0x320;
	[sflag:s21] =	ssyncadd.s32 $0xFFFF9C00  }
0x27: {  	[tilespmem:s13], [sflag:$0x1] =	stream.indirect.gather [hbm4b:s3+s12], $0x80, s29, s12, $0xb8;
	[tilespmem:$0x1F400] =	vst v63  }
0x28: {  	_ =	swait.ge [sflag:s22], $0x6400  }
0x29: {  	[sflag:s22] =	ssyncset.done $0x0  }
0x2a: {  	s29 =	sadd.s32 $0xFFFFF380, s10;
	[sflag:s22] =	ssyncadd.s32 $0xFFFF9C00  }
0x2b: {  	[hbm4b:s29+s2] =	stream.linear.scatter [tilespmem:s16], [sflag:$0x7], $0x6400, $0x38;
	[tilespmem:$0x1F400] =	vst v63  }
0x2c: {  	_ =	swait.ge [sflag:s23], $0x6400  }
0x2d: {  	[sflag:s23] =	ssyncset.done $0x0  }
0x2e: {  	s29 =	simm.s32 $0x3E8;
	[sflag:s23] =	ssyncadd.s32 $0xFFFF9C00  }
0x2f: {  	[tilespmem:s14], [sflag:$0x2] =	stream.indirect.gather [hbm4b:s3+s12], $0x80, s29, s12, $0xb8;
	[tilespmem:$0x1F400] =	vst v63  }
0x30: {  	_ =	swait.ge [sflag:s24], $0x6400  }
0x31: {  	[sflag:s24] =	ssyncset.done $0x0  }
0x32: {  	[sflag:s24] =	ssyncadd.s32 $0xFFFF9C00  }
0x33: {  	[hbm4b:s10+s2] =	stream.linear.scatter [tilespmem:s19], [sflag:$0x8], $0x6400, $0x38;
	[tilespmem:$0x1F400] =	vst v63  }
0x34: {  	_ =	swait.ge [sflag:s25], $0x6400  }
0x35: {  	[sflag:s25] =	ssyncset.done $0x0  }
0x36: {  	s29 =	simm.s32 $0x4B0;
	[sflag:s25] =	ssyncadd.s32 $0xFFFF9C00  }
0x37: {  	[tilespmem:s16], [sflag:$0x3] =	stream.indirect.gather [hbm4b:s3+s12], $0x80, s29, s12, $0xb8;
	[tilespmem:$0x1F400] =	vst v63  }
0x38: {  	_ =	swait.ge [sflag:s17], $0x6400  }
0x39: {  	[sflag:s17] =	ssyncset.done $0x0  }
0x3a: {  	s29 =	sadd.s32 $0xC80, s10;
	[sflag:s17] =	ssyncadd.s32 $0xFFFF9C00  }
0x3b: {  	[hbm4b:s29+s2] =	stream.linear.scatter [tilespmem:s13], [sflag:$0x5], $0x6400, $0x38;
	[tilespmem:$0x1F400] =	vst v63  }
0x3c: {  	_ =	swait.ge [sflag:s26], $0x6400  }
0x3d: {  	[sflag:s26] =	ssyncset.done $0x0  }
0x3e: {  	s29 =	simm.s32 $0x578;
	[sflag:s26] =	ssyncadd.s32 $0xFFFF9C00  }
0x3f: {  	[tilespmem:s19], [sflag:$0x4] =	stream.indirect.gather [hbm4b:s3+s12], $0x80, s29, s12, $0xb8;
	[tilespmem:$0x1F400] =	vst v63  }
0x40: {  	_ =	swait.ge [sflag:s20], $0x6400  }
0x41: {  	s31 =	sadd.s32 $0x1900, s10;
	[sflag:s20] =	ssyncset.done $0x0  }
0x42: {  	s30 =	sadd.s32 $0x3200, s10;
	s29 =	simm.s32 $0xC80;
	[sflag:s20] =	ssyncadd.s32 $0xFFFF9C00  }
.LBB2_2:
0x43: {  	[hbm4b:s31+s2] =	stream.linear.scatter [tilespmem:s14], [sflag:$0x6], $0x6400, $0x38;
	[tilespmem:$0x1F400] =	vst v63  }
0x44: {  	s31 =	smov.u32 s29  }
0x45: {  	p0 =	sne.s32 s29, $0x17700;
	s29 =	sadd.s32 $0xC80, s29;
	_ =	swait.ge [sflag:s21], $0x6400  }
0x46: {  	s31 =	sshra.s32 s31, $0x2;
	[sflag:s21] =	ssyncset.done $0x0  }
0x47: {  	s1 =	sadd.s32 $0x320, s31;
	[sflag:s21] =	ssyncadd.s32 $0xFFFF9C00  }
0x48: {  	[tilespmem:s13], [sflag:$0x1] =	stream.indirect.gather [hbm4b:s3+s12], $0x80, s1, s12, $0xb8;
	[tilespmem:$0x1F400] =	vst v63  }
0x49: {  	_ =	swait.ge [sflag:s22], $0x6400  }
0x4a: {  	[sflag:s22] =	ssyncset.done $0x0  }
0x4b: {  	s1 =	sadd.s32 $0xFFFFF380, s30;
	[sflag:s22] =	ssyncadd.s32 $0xFFFF9C00  }
0x4c: {  	[hbm4b:s1+s2] =	stream.linear.scatter [tilespmem:s16], [sflag:$0x7], $0x6400, $0x38;
	[tilespmem:$0x1F400] =	vst v63  }
0x4d: {  	_ =	swait.ge [sflag:s23], $0x6400  }
0x4e: {  	[sflag:s23] =	ssyncset.done $0x0  }
0x4f: {  	s1 =	sadd.s32 $0x3E8, s31;
	[sflag:s23] =	ssyncadd.s32 $0xFFFF9C00  }
0x50: {  	[tilespmem:s14], [sflag:$0x2] =	stream.indirect.gather [hbm4b:s3+s12], $0x80, s1, s12, $0xb8;
	[tilespmem:$0x1F400] =	vst v63  }
0x51: {  	_ =	swait.ge [sflag:s24], $0x6400  }
0x52: {  	[sflag:s24] =	ssyncset.done $0x0  }
0x53: {  	[sflag:s24] =	ssyncadd.s32 $0xFFFF9C00  }
0x54: {  	[hbm4b:s30+s2] =	stream.linear.scatter [tilespmem:s19], [sflag:$0x8], $0x6400, $0x38;
	[tilespmem:$0x1F400] =	vst v63  }
0x55: {  	_ =	swait.ge [sflag:s25], $0x6400  }
0x56: {  	[sflag:s25] =	ssyncset.done $0x0  }
0x57: {  	s1 =	sadd.s32 $0x4B0, s31;
	[sflag:s25] =	ssyncadd.s32 $0xFFFF9C00  }
0x58: {  	[tilespmem:s16], [sflag:$0x3] =	stream.indirect.gather [hbm4b:s3+s12], $0x80, s1, s12, $0xb8;
	[tilespmem:$0x1F400] =	vst v63  }
0x59: {  	_ =	swait.ge [sflag:s17], $0x6400  }
0x5a: {  	[sflag:s17] =	ssyncset.done $0x0  }
0x5b: {  	s1 =	sadd.s32 $0xC80, s30;
	[sflag:s17] =	ssyncadd.s32 $0xFFFF9C00  }
0x5c: {  	[hbm4b:s1+s2] =	stream.linear.scatter [tilespmem:s13], [sflag:$0x5], $0x6400, $0x38;
	[tilespmem:$0x1F400] =	vst v63  }
0x5d: {  	_ =	swait.ge [sflag:s26], $0x6400  }
0x5e: {  	[sflag:s26] =	ssyncset.done $0x0  }
.Ltmp0:
0x5f: {  	s1 =	sadd.s32 $0x578, s31;
	[sflag:s26] =	ssyncadd.s32 $0xFFFF9C00;
	(pc) =	sbr.rel @p0 .LBB2_2-.Ltmp0, $4  }
0x60: {  	[tilespmem:s19], [sflag:$0x4] =	stream.indirect.gather [hbm4b:s3+s12], $0x80, s1, s12, $0xb8;
	[tilespmem:$0x1F400] =	vst v63  }
0x61: {  	_ =	swait.ge [sflag:s20], $0x6400  }
0x62: {  	[sflag:s20] =	ssyncset.done $0x0  }
0x63: {  	s31 =	sadd.s32 $0x1900, s30;
	s30 =	sadd.s32 $0x3200, s30;
	[sflag:s20] =	ssyncadd.s32 $0xFFFF9C00  }
0x64: {  	[hbm4b:s31+s2] =	stream.linear.scatter [tilespmem:s14], [sflag:$0x6], $0x6400, $0x38;
	[tilespmem:$0x1F400] =	vst v63  }
0x65: {  	_ =	swait.ge [sflag:s22], $0x6400  }
0x66: {  	[sflag:s22] =	ssyncset.done $0x0  }
0x67: {  	[sflag:s22] =	ssyncadd.s32 $0xFFFF9C00  }
0x68: {  	[hbm4b:s7+s2] =	stream.linear.scatter [tilespmem:s16], [sflag:$0x7], $0x6400, $0x38;
	[tilespmem:$0x1F400] =	vst v63  }
0x69: {  	_ =	swait.ge [sflag:s24], $0x6400  }
0x6a: {  	[sflag:s24] =	ssyncset.done $0x0  }
0x6b: {  	[sflag:s24] =	ssyncadd.s32 $0xFFFF9C00  }
0x6c: {  	[hbm4b:s8+s2] =	stream.linear.scatter [tilespmem:s19], [sflag:$0x8], $0x6400, $0x38;
	[tilespmem:$0x1F400] =	vst v63  }
0x6d: {  	_ =	swait.ge [sflag:s21], $0x6400  }
0x6e: {  	[sflag:s21] =	ssyncset.done $0x0  }
0x6f: {  	[sflag:s21] =	ssyncadd.s32 $0xFFFF9C00  }
0x70: {  	_ =	swait.ge [sflag:s23], $0x6400  }
0x71: {  	[sflag:s23] =	ssyncset.done $0x0  }
0x72: {  	s28 =	sadd.s32 $0x1, s28;
	[sflag:s23] =	ssyncadd.s32 $0xFFFF9C00  }
0x73: {  	p0 =	sne.s32 s28, s9;
	_ =	swait.ge [sflag:s25], $0x6400  }
.Ltmp1:
0x74: {  	[sflag:s25] =	ssyncset.done $0x0;
	(pc) =	sbr.rel @p0 .LBB2_1-.Ltmp1, $4  }
0x75: {  	[sflag:s25] =	ssyncadd.s32 $0xFFFF9C00  }
0x76: {  	_ =	swait.ge [sflag:s26], $0x6400  }
0x77: {  	[sflag:s26] =	ssyncset.done $0x0  }
0x78: {  	[sflag:s26] =	ssyncadd.s32 $0xFFFF9C00  }
0x79: {  	_ =	sfence.sel $0x180000  }
0x7a: {  	[bflag:$0x0] =	sbarrier.arrive $0xFFFF  }
0x7b: {  	_ =	strace $0x90000047  }
0x7c: {  	[bflag:$0x2] =	sbarrier.arrive $0xFFFF  }
0x7d: {  	p0 =	sne.s32 s0, $0x0;
	s0 =	rddreg [dreg:$0x2]  }
0x7e: {  	s0 =	sadd.s32 @!p0 $0x100000, s0  }
0x7f: {  	[sflag:s0] =	ssyncadd.tile.s32 @!p0 $0x1;
	_ =	shalt  }
.Lfunc_end2:
_tile_overlayer_lowered:
.L_overlay_start_2:
0x80: {  	(tag) =	ssettag $0x2  }
0x81: {  	s0 =	rddreg [dreg:$0x0];
	s2 =	stileid.u32  }
0x82: {  	s1 =	rddreg [dreg:$0x1];
	p0 =	sne.s32 s2, $0x0  }
0x83: {  	s3 =	rddreg [dreg:$0x2];
	[bflag:$0x3] =	sbarrier.arrive $0xFFFF;
	s2 =	simm.s32 @!p0 $0x1C09  }
0x84: {  	[timem:s3], [sflag:s2] =	dma.local @!p0 [hbm:s0], s1  }
0x85: {  	s0 =	simm.s32 @!p0 $0x9  }
0x86: {  	_ =	swait.ge @!p0 [sflag:s0], s1  }
0x87: {  	s1 =	ssub.s32 @!p0 $0x0, s1;
	[sflag:s0] =	ssyncset.done @!p0 $0x0  }
0x88: {  	[sflag:s0] =	ssyncadd.s32 @!p0 s1  }
0x89: {  	[bflag:$0x3] =	sbarrier.arrive $0xFFFF  }
0x8a: {  	_ =	shalt  }

</sc_bundles>
